<compile_context>
chip_gen: v7x
topology: tpu7x:2x2x1
jax: 0.10.2.dev20260603
libtpu: 0.0.44.dev20260713+nightly
codegen_flags: <defaults>
</compile_context>

<pallas_src>
import jax
import jax.numpy as jnp
from jax import lax
from jax.experimental import pallas as pl
from jax.experimental.pallas import tpu as pltpu
from jax.experimental.pallas import tpu_sc as plsc

_EMB_DIM = 32
_NUM_CODES = 8192
_N_ROWS = 4096
_BETA = 0.25

_NT = 2048
_KT = 1024


def _argmin_body(x_ref, e_ref, idx_ref, loss_ref, se_ref):
    i = pl.program_id(0)

    @pl.when(i == 0)
    def _se():
        e = e_ref[...]
        se_ref[...] = 0.25 * jnp.sum(e * e, axis=0, keepdims=True)

    x = x_ref[...]
    sx = jnp.sum(x * x, axis=1, keepdims=True)
    run_min = jnp.full((_NT, 1), jnp.inf, jnp.float32)
    run_idx = jnp.zeros((_NT, 1), jnp.float32)
    iif = lax.broadcasted_iota(jnp.int32, (_NT, _KT), 1).astype(jnp.float32)
    for c in range(_NUM_CODES // _KT):
        eb = e_ref[:, c * _KT:(c + 1) * _KT]
        mm2 = lax.dot_general(x, eb, (((1,), (0,)), ((), ())),
                              preferred_element_type=jnp.float32)
        d = sx - mm2
        d = d + se_ref[:, c * _KT:(c + 1) * _KT]
        m = jnp.min(d, axis=1, keepdims=True)
        cand = jnp.min(jnp.where(d == m, iif, float(_KT)), axis=1,
                       keepdims=True) + float(c * _KT)
        better = m < run_min
        run_idx = jnp.where(better, cand, run_idx)
        run_min = jnp.where(better, m, run_min)
    idx_ref[0, 0, :] = run_idx[:, 0].astype(jnp.int32)

    @pl.when(i == 0)
    def _init():
        loss_ref[...] = jnp.zeros((1, 1), jnp.float32)

    loss_ref[...] = loss_ref[...] + jnp.sum(run_min)

    @pl.when(i == pl.num_programs(0) - 1)
    def _scale():
        loss_ref[...] = loss_ref[...] * (_BETA / (16 * 8192))


_N_TILES = _N_ROWS // _NT

_argmin_call = pl.pallas_call(
    _argmin_body,
    grid=(_N_TILES,),
    in_specs=[
        pl.BlockSpec((_NT, _EMB_DIM), lambda i: (i, 0)),
        pl.BlockSpec((_EMB_DIM, _NUM_CODES), lambda i: (0, 0)),
    ],
    out_specs=[
        pl.BlockSpec((1, 1, _NT), lambda i: (i, 0, 0)),
        pl.BlockSpec((1, 1), lambda i: (0, 0)),
    ],
    out_shape=[
        jax.ShapeDtypeStruct((_N_TILES, 1, _NT), jnp.int32),
        jax.ShapeDtypeStruct((1, 1), jnp.float32),
    ],
    scratch_shapes=[pltpu.VMEM((1, _NUM_CODES), jnp.float32)],
)


_D_PAD = 128


def _sc_gather_body(et_hbm, idx_hbm, out_hbm, idx_v, rows_v, sem):
    info = plsc.get_sparse_core_info()
    rows_per_w = _N_ROWS // (info.num_cores * info.num_subcores)
    wid = lax.axis_index("s") * info.num_cores + lax.axis_index("c")
    base = wid * rows_per_w
    pltpu.sync_copy(idx_hbm.at[pl.ds(base, rows_per_w)], idx_v)
    pltpu.async_copy(et_hbm.at[idx_v], rows_v, sem).wait()
    pltpu.sync_copy(rows_v, out_hbm.at[pl.ds(base, rows_per_w)])


def _make_sc_gather():
    info = plsc.get_sparse_core_info()
    rows_per_w = _N_ROWS // (info.num_cores * info.num_subcores)
    mesh = plsc.VectorSubcoreMesh(core_axis_name="c", subcore_axis_name="s")
    return pl.kernel(
        _sc_gather_body,
        out_type=jax.ShapeDtypeStruct((_N_ROWS, _D_PAD), jnp.float32),
        mesh=mesh,
        scratch_types=[
            pltpu.VMEM((rows_per_w,), jnp.int32),
            pltpu.VMEM((rows_per_w, _D_PAD), jnp.float32),
            pltpu.SemaphoreType.DMA,
        ],
    )


def kernel(inputs, embeddings):
    x = inputs.reshape(_N_ROWS, _EMB_DIM)
    idx3, loss2 = _argmin_call(x, embeddings + embeddings)
    idx = idx3.reshape(_N_ROWS)
    et = jnp.pad(embeddings.T, ((0, 0), (0, _D_PAD - _EMB_DIM)))
    q = _make_sc_gather()(et, idx)
    out = q[:, :_EMB_DIM].reshape(16, 8192, 1)
    return (out, loss2[0, 0], 0.0)

# --- scband reference (transcript-rebuilt; emitter-appended) ---
"""Pipeline reference for scband-mu-model-78297253806629 (READ-ONLY COPY).

The authoritative reference and input builder live on the scoring server;
editing this copy changes nothing except your own understanding.
"""

import jax, jax.numpy as jnp
import numpy as np

EMBEDDING_DIM = 32
NUM_EMBEDDINGS = 8192
BETA = 0.25


def setup_inputs(seed: int = 0) -> dict:
    key = jax.random.key(seed)
    k1, k2 = jax.random.split(key)
    inputs = jax.random.normal(k1, (16, 8192, 1), dtype=jnp.float32)
    # embeddings stored as (embedding_dim, num_embeddings), matching the TF variable layout
    embeddings = jax.random.uniform(k2, (EMBEDDING_DIM, NUM_EMBEDDINGS), dtype=jnp.float32, minval=-0.05, maxval=0.05)
    return {"inputs": inputs, "embeddings": embeddings}


def reference(inputs, embeddings):
    # MuModel.call (inference path, training=False)
    x = inputs[:, :, 0]                      # [B, S]
    input_shape = x.shape
    flat_inputs = x.reshape(-1, EMBEDDING_DIM)  # [N, d]
    # get_code_indices: squared L2 distances via expansion
    distances = (jnp.sum(flat_inputs ** 2, axis=1, keepdims=True)
                 - 2.0 * (flat_inputs @ embeddings)
                 + jnp.sum(embeddings ** 2, axis=0, keepdims=True))  # [N, K]
    encoding_indices = jnp.argmax(-distances, axis=1)                 # [N]
    # one_hot @ embeddings.T  ==  gather rows of embeddings.T
    quantized = jnp.take(embeddings.T, encoding_indices, axis=0)      # [N, d]
    quantized = quantized.reshape(input_shape)                        # [B, S]
    commitment_loss = BETA * jnp.mean((jax.lax.stop_gradient(quantized) - x) ** 2)
    quantized_st = x + jax.lax.stop_gradient(quantized - x)
    out = quantized_st[..., None]                                     # [B, S, 1]
    return (out, commitment_loss, 0.0)

if __name__ == "__main__":
    import jax
    _d = setup_inputs()
    print(jax.jit(kernel)(*tuple(_d.values())))

</pallas_src>

<mosaic_0001>
#map = affine_map<(d0, d1) -> (0, 0)>
#map1 = affine_map<(d0, d1) -> (0)>
module attributes {stable_mosaic.version = 14 : i64} {
  func.func @_sc_gather_body(%arg0: i32, %arg1: i32, %arg2: memref<8192x128xf32, #tpu.memory_space<hbm>>, %arg3: memref<4096xi32, #tpu.memory_space<hbm>>, %arg4: memref<4096x128xf32, #tpu.memory_space<hbm>>, %arg5: memref<128xi32, #tpu.memory_space<vmem>>, %arg6: memref<128x128xf32, #tpu.memory_space<vmem>>, %arg7: memref<!tpu.dma_semaphore, #tpu.memory_space<semaphore_mem>>) attributes {dimension_semantics = [#tpu.dimension_semantics<core_parallel>, #tpu.dimension_semantics<subcore_parallel>], iteration_bounds = array<i64: 2, 16>, scalar_prefetch = 0 : i64, scratch_operands = 3 : i64, tpu.core_type = #tpu.core_type<sc_vector_subcore>, window_params = [{transform_indices = #map}, {transform_indices = #map1}, {transform_indices = #map}]} {
    %mul3A = arith.constant 2 : i32
    %mul3A_0 = arith.muli %arg1, %mul3A : i32
    %add3A = arith.addi %mul3A_0, %arg0 : i32
    %mul3A_1 = arith.constant 128 : i32
    %mul3A_2 = arith.muli %add3A, %mul3A_1 : i32
    "tpu.region"() ({
      %run_scoped3A = tpu.sem_alloc : memref<!tpu.dma_semaphore, #tpu.memory_space<semaphore_mem>>
      %dma_start3A_7 = tpu.memref_slice %arg3[%mul3A_2] : memref<4096xi32, #tpu.memory_space<hbm>> -> memref<128xi32, #tpu.memory_space<hbm>>
      %dma_start3A_8 = tpu.memref_slice %arg3[%mul3A_2] : memref<4096xi32, #tpu.memory_space<hbm>> -> memref<128xi32, #tpu.memory_space<hbm>>
      tpu.enqueue_dma source(%dma_start3A_8 : memref<128xi32, #tpu.memory_space<hbm>>) target(%arg5 : memref<128xi32, #tpu.memory_space<vmem>>) target_semaphore(%run_scoped3A : memref<!tpu.dma_semaphore, #tpu.memory_space<semaphore_mem>>)
      %dma_wait3A_9 = tpu.memref_slice %arg3[%mul3A_2] : memref<4096xi32, #tpu.memory_space<hbm>> -> memref<128xi32, #tpu.memory_space<hbm>>
      %dma_wait3A_10 = tpu.memref_slice %arg3[%mul3A_2] : memref<4096xi32, #tpu.memory_space<hbm>> -> memref<128xi32, #tpu.memory_space<hbm>>
      tpu.wait_dma2 semaphore(%run_scoped3A : memref<!tpu.dma_semaphore, #tpu.memory_space<semaphore_mem>>) src(%dma_wait3A_10 : memref<128xi32, #tpu.memory_space<hbm>>) dst(%arg5 : memref<128xi32, #tpu.memory_space<vmem>>)
      tpu.yield
    }) : () -> ()
    %dma_start3A = arith.constant 0 : i32
    %dma_start3A_3 = arith.constant 0 : i32
    %dma_start3A_4 = tpu.memref_slice %arg2[%dma_start3A, %dma_start3A_3] : memref<8192x128xf32, #tpu.memory_space<hbm>> -> memref<8192x128xf32, #tpu.memory_space<hbm>>
    tpu.enqueue_indirect_dma source(%dma_start3A_4 : memref<8192x128xf32, #tpu.memory_space<hbm>>) target(%arg6 : memref<128x128xf32, #tpu.memory_space<vmem>>) offsets(%arg5 : memref<128xi32, #tpu.memory_space<vmem>>) semaphore(%arg7 : memref<!tpu.dma_semaphore, #tpu.memory_space<semaphore_mem>>)
    %dma_wait3A = arith.constant 0 : i32
    %dma_wait3A_5 = arith.constant 0 : i32
    %dma_wait3A_6 = tpu.memref_slice %arg2[%dma_wait3A, %dma_wait3A_5] : memref<8192x128xf32, #tpu.memory_space<hbm>> -> memref<8192x128xf32, #tpu.memory_space<hbm>>
    tpu.wait_indirect_dma semaphore(%arg7 : memref<!tpu.dma_semaphore, #tpu.memory_space<semaphore_mem>>) src(%dma_wait3A_6 : memref<8192x128xf32, #tpu.memory_space<hbm>>) dst(%arg6 : memref<128x128xf32, #tpu.memory_space<vmem>>)
    "tpu.region"() ({
      %run_scoped3A = tpu.sem_alloc : memref<!tpu.dma_semaphore, #tpu.memory_space<semaphore_mem>>
      %dma_start3A_7 = arith.constant 0 : i32
      %dma_start3A_8 = tpu.memref_slice %arg4[%mul3A_2, %dma_start3A_7] : memref<4096x128xf32, #tpu.memory_space<hbm>> -> memref<128x128xf32, #tpu.memory_space<hbm>>
      %dma_start3A_9 = arith.constant 0 : i32
      %dma_start3A_10 = tpu.memref_slice %arg4[%mul3A_2, %dma_start3A_9] : memref<4096x128xf32, #tpu.memory_space<hbm>> -> memref<128x128xf32, #tpu.memory_space<hbm>>
      tpu.enqueue_dma source(%arg6 : memref<128x128xf32, #tpu.memory_space<vmem>>) target(%dma_start3A_10 : memref<128x128xf32, #tpu.memory_space<hbm>>) target_semaphore(%run_scoped3A : memref<!tpu.dma_semaphore, #tpu.memory_space<semaphore_mem>>)
      %dma_wait3A_11 = arith.constant 0 : i32
      %dma_wait3A_12 = tpu.memref_slice %arg4[%mul3A_2, %dma_wait3A_11] : memref<4096x128xf32, #tpu.memory_space<hbm>> -> memref<128x128xf32, #tpu.memory_space<hbm>>
      %dma_wait3A_13 = arith.constant 0 : i32
      %dma_wait3A_14 = tpu.memref_slice %arg4[%mul3A_2, %dma_wait3A_13] : memref<4096x128xf32, #tpu.memory_space<hbm>> -> memref<128x128xf32, #tpu.memory_space<hbm>>
      tpu.wait_dma2 semaphore(%run_scoped3A : memref<!tpu.dma_semaphore, #tpu.memory_space<semaphore_mem>>) src(%arg6 : memref<128x128xf32, #tpu.memory_space<vmem>>) dst(%dma_wait3A_14 : memref<128x128xf32, #tpu.memory_space<hbm>>)
      tpu.yield
    }) : () -> ()
    return
  }
}

module attributes {stable_mosaic.version = 14 : i64} {
  func.func @_argmin_body(%arg0: i32, %arg1: memref<2048x32xf32, #tpu.memory_space<vmem>>, %arg2: memref<32x8192xf32, #tpu.memory_space<vmem>>, %arg3: memref<1x1x2048xi32, #tpu.memory_space<vmem>>, %arg4: memref<1x1xf32, #tpu.memory_space<vmem>>, %arg5: memref<1x8192xf32, #tpu.memory_space<vmem>>) attributes {dimension_semantics = [#tpu.dimension_semantics<arbitrary>], iteration_bounds = array<i64: 2>, scalar_prefetch = 0 : i64, scratch_operands = 1 : i64, tpu.core_type = #tpu.core_type<tc>, window_params = [{transform_indices = @transform_0, window_bounds = array<i64: 2048, 32>}, {pipeline_mode = #tpu.pipeline_mode<synchronous>, transform_indices = @transform_1, window_bounds = array<i64: 32, 8192>}, {transform_indices = @transform_2, window_bounds = array<i64: 1, 1, 2048>}, {pipeline_mode = #tpu.pipeline_mode<synchronous>, transform_indices = @transform_3, window_bounds = array<i64: 1, 1>}]} {
    %eq3A = arith.constant 0 : i32
    %eq3A_0 = arith.cmpi eq, %arg0, %eq3A : i32
    %convert_element_type3A = arith.extui %eq3A_0 : i1 to i32
    %cond3A = arith.constant 0 : i32
    %cond3A_1 = arith.cmpi ne, %convert_element_type3A, %cond3A : i32
    scf.if %cond3A_1 {
      %get3A_264 = arith.constant 0 : index
      %get3A_265 = arith.constant 0 : index
      %get3A_266 = vector.load %arg2[%get3A_264, %get3A_265] : memref<32x8192xf32, #tpu.memory_space<vmem>>, vector<32x8192xf32>
      %mul3A_267 = arith.mulf %get3A_266, %get3A_266 : vector<32x8192xf32>
      %reduce_sum3A_268 = arith.constant dense<0.000000e+00> : vector<8192xf32>
      %reduce_sum3A_269 = vector.multi_reduction <add>, %mul3A_267, %reduce_sum3A_268 [0] : vector<32x8192xf32> to vector<8192xf32>
      %broadcast_in_dim3A_270 = vector.shape_cast %reduce_sum3A_269 : vector<8192xf32> to vector<1x8192xf32>
      %mul3A_271 = arith.constant 2.500000e-01 : f32
      %mul3A_272 = vector.broadcast %mul3A_271 : f32 to vector<1x8192xf32>
      %mul3A_273 = arith.mulf %mul3A_272, %broadcast_in_dim3A_270 : vector<1x8192xf32>
      %swap3A_274 = arith.constant 0 : index
      %swap3A_275 = arith.constant 0 : index
      %swap3A_276 = vector.load %arg5[%swap3A_274, %swap3A_275] : memref<1x8192xf32, #tpu.memory_space<vmem>>, vector<1x8192xf32>
      tpu.vector_store %arg5[%swap3A_274, %swap3A_275], %mul3A_273 {strides = array<i32>} : memref<1x8192xf32, #tpu.memory_space<vmem>>, vector<1x8192xf32>,
    } else {
    }
    %get3A = arith.constant 0 : index
    %get3A_2 = arith.constant 0 : index
    %get3A_3 = vector.load %arg1[%get3A, %get3A_2] : memref<2048x32xf32, #tpu.memory_space<vmem>>, vector<2048x32xf32>
    %mul3A = arith.mulf %get3A_3, %get3A_3 : vector<2048x32xf32>
    %reduce_sum3A = arith.constant dense<0.000000e+00> : vector<2048xf32>
    %reduce_sum3A_4 = vector.multi_reduction <add>, %mul3A, %reduce_sum3A [1] : vector<2048x32xf32> to vector<2048xf32>
    %broadcast_in_dim3A = vector.shape_cast %reduce_sum3A_4 : vector<2048xf32> to vector<2048x1xf32>
    %broadcast_in_dim3A_5 = arith.constant 0x7F800000 : f32
    %broadcast_in_dim3A_6 = vector.broadcast %broadcast_in_dim3A_5 : f32 to vector<2048x1xf32>
    %broadcast_in_dim3A_7 = arith.constant 0.000000e+00 : f32
    %broadcast_in_dim3A_8 = vector.broadcast %broadcast_in_dim3A_7 : f32 to vector<2048x1xf32>
    %iota3A = tpu.iota {dimensions = array<i32: 1>} : vector<2048x1024xi32>
    %convert_element_type3A_9 = arith.sitofp %iota3A : vector<2048x1024xi32> to vector<2048x1024xf32>
    %get3A_10 = arith.constant 0 : index
    %get3A_11 = arith.constant 0 : index
    %get3A_12 = vector.load %arg2[%get3A_10, %get3A_11] : memref<32x8192xf32, #tpu.memory_space<vmem>>, vector<32x1024xf32>
    %dot_general3A = arith.constant dense<0.000000e+00> : vector<2048x1024xf32>
    %dot_general3A_13 = tpu.matmul %get3A_3, %get3A_12, %dot_general3A {dimension_numbers = #tpu.dot_dimension_numbers<[1], [0], [0], [1], [0, 0, 1, 1], [], []>, transpose_lhs_hint = false} : vector<2048x32xf32>, vector<32x1024xf32>, vector<2048x1024xf32> -> vector<2048x1024xf32>
    %sub3A = vector.broadcast %broadcast_in_dim3A : vector<2048x1xf32> to vector<2048x1024xf32>
    %sub3A_14 = arith.subf %sub3A, %dot_general3A_13 : vector<2048x1024xf32>
    %get3A_15 = arith.constant 0 : index
    %get3A_16 = arith.constant 0 : index
    %get3A_17 = vector.load %arg5[%get3A_15, %get3A_16] : memref<1x8192xf32, #tpu.memory_space<vmem>>, vector<1x1024xf32>
    %add3A = vector.broadcast %get3A_17 : vector<1x1024xf32> to vector<2048x1024xf32>
    %add3A_18 = arith.addf %sub3A_14, %add3A : vector<2048x1024xf32>
    %reduce_min3A = arith.constant dense<0x7F800000> : vector<2048xf32>
    %reduce_min3A_19 = vector.multi_reduction <minimumf>, %add3A_18, %reduce_min3A [1] : vector<2048x1024xf32> to vector<2048xf32>
    %broadcast_in_dim3A_20 = vector.shape_cast %reduce_min3A_19 : vector<2048xf32> to vector<2048x1xf32>
    %eq3A_21 = vector.broadcast %broadcast_in_dim3A_20 : vector<2048x1xf32> to vector<2048x1024xf32>
    %eq3A_22 = arith.cmpf oeq, %add3A_18, %eq3A_21 : vector<2048x1024xf32>
    %jit3A = arith.constant 1.024000e+03 : f32
    %broadcast_in_dim3A_23 = vector.broadcast %jit3A : f32 to vector<2048x1024xf32>
    %select_n3A = arith.select %eq3A_22, %convert_element_type3A_9, %broadcast_in_dim3A_23 : vector<2048x1024xi1>, vector<2048x1024xf32>
    %reduce_min3A_24 = arith.constant dense<0x7F800000> : vector<2048xf32>
    %reduce_min3A_25 = vector.multi_reduction <minimumf>, %select_n3A, %reduce_min3A_24 [1] : vector<2048x1024xf32> to vector<2048xf32>
    %broadcast_in_dim3A_26 = vector.shape_cast %reduce_min3A_25 : vector<2048xf32> to vector<2048x1xf32>
    %add3A_27 = arith.constant 0.000000e+00 : f32
    %add3A_28 = vector.broadcast %add3A_27 : f32 to vector<2048x1xf32>
    %add3A_29 = arith.addf %broadcast_in_dim3A_26, %add3A_28 : vector<2048x1xf32>
    %lt3A = arith.cmpf olt, %broadcast_in_dim3A_20, %broadcast_in_dim3A_6 : vector<2048x1xf32>
    %select_n3A_30 = arith.select %lt3A, %add3A_29, %broadcast_in_dim3A_8 : vector<2048x1xi1>, vector<2048x1xf32>
    %select_n3A_31 = arith.select %lt3A, %broadcast_in_dim3A_20, %broadcast_in_dim3A_6 : vector<2048x1xi1>, vector<2048x1xf32>
    %get3A_32 = arith.constant 0 : index
    %get3A_33 = arith.constant 1024 : index
    %get3A_34 = vector.load %arg2[%get3A_32, %get3A_33] : memref<32x8192xf32, #tpu.memory_space<vmem>>, vector<32x1024xf32>
    %dot_general3A_35 = arith.constant dense<0.000000e+00> : vector<2048x1024xf32>
    %dot_general3A_36 = tpu.matmul %get3A_3, %get3A_34, %dot_general3A_35 {dimension_numbers = #tpu.dot_dimension_numbers<[1], [0], [0], [1], [0, 0, 1, 1], [], []>, transpose_lhs_hint = false} : vector<2048x32xf32>, vector<32x1024xf32>, vector<2048x1024xf32> -> vector<2048x1024xf32>
    %sub3A_37 = vector.broadcast %broadcast_in_dim3A : vector<2048x1xf32> to vector<2048x1024xf32>
    %sub3A_38 = arith.subf %sub3A_37, %dot_general3A_36 : vector<2048x1024xf32>
    %get3A_39 = arith.constant 0 : index
    %get3A_40 = arith.constant 1024 : index
    %get3A_41 = vector.load %arg5[%get3A_39, %get3A_40] : memref<1x8192xf32, #tpu.memory_space<vmem>>, vector<1x1024xf32>
    %add3A_42 = vector.broadcast %get3A_41 : vector<1x1024xf32> to vector<2048x1024xf32>
    %add3A_43 = arith.addf %sub3A_38, %add3A_42 : vector<2048x1024xf32>
    %reduce_min3A_44 = arith.constant dense<0x7F800000> : vector<2048xf32>
    %reduce_min3A_45 = vector.multi_reduction <minimumf>, %add3A_43, %reduce_min3A_44 [1] : vector<2048x1024xf32> to vector<2048xf32>
    %broadcast_in_dim3A_46 = vector.shape_cast %reduce_min3A_45 : vector<2048xf32> to vector<2048x1xf32>
    %eq3A_47 = vector.broadcast %broadcast_in_dim3A_46 : vector<2048x1xf32> to vector<2048x1024xf32>
    %eq3A_48 = arith.cmpf oeq, %add3A_43, %eq3A_47 : vector<2048x1024xf32>
    %jit3A_49 = arith.constant 1.024000e+03 : f32
    %broadcast_in_dim3A_50 = vector.broadcast %jit3A_49 : f32 to vector<2048x1024xf32>
    %select_n3A_51 = arith.select %eq3A_48, %convert_element_type3A_9, %broadcast_in_dim3A_50 : vector<2048x1024xi1>, vector<2048x1024xf32>
    %reduce_min3A_52 = arith.constant dense<0x7F800000> : vector<2048xf32>
    %reduce_min3A_53 = vector.multi_reduction <minimumf>, %select_n3A_51, %reduce_min3A_52 [1] : vector<2048x1024xf32> to vector<2048xf32>
    %broadcast_in_dim3A_54 = vector.shape_cast %reduce_min3A_53 : vector<2048xf32> to vector<2048x1xf32>
    %add3A_55 = arith.constant 1.024000e+03 : f32
    %add3A_56 = vector.broadcast %add3A_55 : f32 to vector<2048x1xf32>
    %add3A_57 = arith.addf %broadcast_in_dim3A_54, %add3A_56 : vector<2048x1xf32>
    %lt3A_58 = arith.cmpf olt, %broadcast_in_dim3A_46, %select_n3A_31 : vector<2048x1xf32>
    %select_n3A_59 = arith.select %lt3A_58, %add3A_57, %select_n3A_30 : vector<2048x1xi1>, vector<2048x1xf32>
    %select_n3A_60 = arith.select %lt3A_58, %broadcast_in_dim3A_46, %select_n3A_31 : vector<2048x1xi1>, vector<2048x1xf32>
    %get3A_61 = arith.constant 0 : index
    %get3A_62 = arith.constant 2048 : index
    %get3A_63 = vector.load %arg2[%get3A_61, %get3A_62] : memref<32x8192xf32, #tpu.memory_space<vmem>>, vector<32x1024xf32>
    %dot_general3A_64 = arith.constant dense<0.000000e+00> : vector<2048x1024xf32>
    %dot_general3A_65 = tpu.matmul %get3A_3, %get3A_63, %dot_general3A_64 {dimension_numbers = #tpu.dot_dimension_numbers<[1], [0], [0], [1], [0, 0, 1, 1], [], []>, transpose_lhs_hint = false} : vector<2048x32xf32>, vector<32x1024xf32>, vector<2048x1024xf32> -> vector<2048x1024xf32>
    %sub3A_66 = vector.broadcast %broadcast_in_dim3A : vector<2048x1xf32> to vector<2048x1024xf32>
    %sub3A_67 = arith.subf %sub3A_66, %dot_general3A_65 : vector<2048x1024xf32>
    %get3A_68 = arith.constant 0 : index
    %get3A_69 = arith.constant 2048 : index
    %get3A_70 = vector.load %arg5[%get3A_68, %get3A_69] : memref<1x8192xf32, #tpu.memory_space<vmem>>, vector<1x1024xf32>
    %add3A_71 = vector.broadcast %get3A_70 : vector<1x1024xf32> to vector<2048x1024xf32>
    %add3A_72 = arith.addf %sub3A_67, %add3A_71 : vector<2048x1024xf32>
    %reduce_min3A_73 = arith.constant dense<0x7F800000> : vector<2048xf32>
    %reduce_min3A_74 = vector.multi_reduction <minimumf>, %add3A_72, %reduce_min3A_73 [1] : vector<2048x1024xf32> to vector<2048xf32>
    %broadcast_in_dim3A_75 = vector.shape_cast %reduce_min3A_74 : vector<2048xf32> to vector<2048x1xf32>
    %eq3A_76 = vector.broadcast %broadcast_in_dim3A_75 : vector<2048x1xf32> to vector<2048x1024xf32>
    %eq3A_77 = arith.cmpf oeq, %add3A_72, %eq3A_76 : vector<2048x1024xf32>
    %jit3A_78 = arith.constant 1.024000e+03 : f32
    %broadcast_in_dim3A_79 = vector.broadcast %jit3A_78 : f32 to vector<2048x1024xf32>
    %select_n3A_80 = arith.select %eq3A_77, %convert_element_type3A_9, %broadcast_in_dim3A_79 : vector<2048x1024xi1>, vector<2048x1024xf32>
    %reduce_min3A_81 = arith.constant dense<0x7F800000> : vector<2048xf32>
    %reduce_min3A_82 = vector.multi_reduction <minimumf>, %select_n3A_80, %reduce_min3A_81 [1] : vector<2048x1024xf32> to vector<2048xf32>
    %broadcast_in_dim3A_83 = vector.shape_cast %reduce_min3A_82 : vector<2048xf32> to vector<2048x1xf32>
    %add3A_84 = arith.constant 2.048000e+03 : f32
    %add3A_85 = vector.broadcast %add3A_84 : f32 to vector<2048x1xf32>
    %add3A_86 = arith.addf %broadcast_in_dim3A_83, %add3A_85 : vector<2048x1xf32>
    %lt3A_87 = arith.cmpf olt, %broadcast_in_dim3A_75, %select_n3A_60 : vector<2048x1xf32>
    %select_n3A_88 = arith.select %lt3A_87, %add3A_86, %select_n3A_59 : vector<2048x1xi1>, vector<2048x1xf32>
    %select_n3A_89 = arith.select %lt3A_87, %broadcast_in_dim3A_75, %select_n3A_60 : vector<2048x1xi1>, vector<2048x1xf32>
    %get3A_90 = arith.constant 0 : index
    %get3A_91 = arith.constant 3072 : index
    %get3A_92 = vector.load %arg2[%get3A_90, %get3A_91] : memref<32x8192xf32, #tpu.memory_space<vmem>>, vector<32x1024xf32>
    %dot_general3A_93 = arith.constant dense<0.000000e+00> : vector<2048x1024xf32>
    %dot_general3A_94 = tpu.matmul %get3A_3, %get3A_92, %dot_general3A_93 {dimension_numbers = #tpu.dot_dimension_numbers<[1], [0], [0], [1], [0, 0, 1, 1], [], []>, transpose_lhs_hint = false} : vector<2048x32xf32>, vector<32x1024xf32>, vector<2048x1024xf32> -> vector<2048x1024xf32>
    %sub3A_95 = vector.broadcast %broadcast_in_dim3A : vector<2048x1xf32> to vector<2048x1024xf32>
    %sub3A_96 = arith.subf %sub3A_95, %dot_general3A_94 : vector<2048x1024xf32>
    %get3A_97 = arith.constant 0 : index
    %get3A_98 = arith.constant 3072 : index
    %get3A_99 = vector.load %arg5[%get3A_97, %get3A_98] : memref<1x8192xf32, #tpu.memory_space<vmem>>, vector<1x1024xf32>
    %add3A_100 = vector.broadcast %get3A_99 : vector<1x1024xf32> to vector<2048x1024xf32>
    %add3A_101 = arith.addf %sub3A_96, %add3A_100 : vector<2048x1024xf32>
    %reduce_min3A_102 = arith.constant dense<0x7F800000> : vector<2048xf32>
    %reduce_min3A_103 = vector.multi_reduction <minimumf>, %add3A_101, %reduce_min3A_102 [1] : vector<2048x1024xf32> to vector<2048xf32>
    %broadcast_in_dim3A_104 = vector.shape_cast %reduce_min3A_103 : vector<2048xf32> to vector<2048x1xf32>
    %eq3A_105 = vector.broadcast %broadcast_in_dim3A_104 : vector<2048x1xf32> to vector<2048x1024xf32>
    %eq3A_106 = arith.cmpf oeq, %add3A_101, %eq3A_105 : vector<2048x1024xf32>
    %jit3A_107 = arith.constant 1.024000e+03 : f32
    %broadcast_in_dim3A_108 = vector.broadcast %jit3A_107 : f32 to vector<2048x1024xf32>
    %select_n3A_109 = arith.select %eq3A_106, %convert_element_type3A_9, %broadcast_in_dim3A_108 : vector<2048x1024xi1>, vector<2048x1024xf32>
    %reduce_min3A_110 = arith.constant dense<0x7F800000> : vector<2048xf32>
    %reduce_min3A_111 = vector.multi_reduction <minimumf>, %select_n3A_109, %reduce_min3A_110 [1] : vector<2048x1024xf32> to vector<2048xf32>
    %broadcast_in_dim3A_112 = vector.shape_cast %reduce_min3A_111 : vector<2048xf32> to vector<2048x1xf32>
    %add3A_113 = arith.constant 3.072000e+03 : f32
    %add3A_114 = vector.broadcast %add3A_113 : f32 to vector<2048x1xf32>
    %add3A_115 = arith.addf %broadcast_in_dim3A_112, %add3A_114 : vector<2048x1xf32>
    %lt3A_116 = arith.cmpf olt, %broadcast_in_dim3A_104, %select_n3A_89 : vector<2048x1xf32>
    %select_n3A_117 = arith.select %lt3A_116, %add3A_115, %select_n3A_88 : vector<2048x1xi1>, vector<2048x1xf32>
    %select_n3A_118 = arith.select %lt3A_116, %broadcast_in_dim3A_104, %select_n3A_89 : vector<2048x1xi1>, vector<2048x1xf32>
    %get3A_119 = arith.constant 0 : index
    %get3A_120 = arith.constant 4096 : index
    %get3A_121 = vector.load %arg2[%get3A_119, %get3A_120] : memref<32x8192xf32, #tpu.memory_space<vmem>>, vector<32x1024xf32>
    %dot_general3A_122 = arith.constant dense<0.000000e+00> : vector<2048x1024xf32>
    %dot_general3A_123 = tpu.matmul %get3A_3, %get3A_121, %dot_general3A_122 {dimension_numbers = #tpu.dot_dimension_numbers<[1], [0], [0], [1], [0, 0, 1, 1], [], []>, transpose_lhs_hint = false} : vector<2048x32xf32>, vector<32x1024xf32>, vector<2048x1024xf32> -> vector<2048x1024xf32>
    %sub3A_124 = vector.broadcast %broadcast_in_dim3A : vector<2048x1xf32> to vector<2048x1024xf32>
    %sub3A_125 = arith.subf %sub3A_124, %dot_general3A_123 : vector<2048x1024xf32>
    %get3A_126 = arith.constant 0 : index
    %get3A_127 = arith.constant 4096 : index
    %get3A_128 = vector.load %arg5[%get3A_126, %get3A_127] : memref<1x8192xf32, #tpu.memory_space<vmem>>, vector<1x1024xf32>
    %add3A_129 = vector.broadcast %get3A_128 : vector<1x1024xf32> to vector<2048x1024xf32>
    %add3A_130 = arith.addf %sub3A_125, %add3A_129 : vector<2048x1024xf32>
    %reduce_min3A_131 = arith.constant dense<0x7F800000> : vector<2048xf32>
    %reduce_min3A_132 = vector.multi_reduction <minimumf>, %add3A_130, %reduce_min3A_131 [1] : vector<2048x1024xf32> to vector<2048xf32>
    %broadcast_in_dim3A_133 = vector.shape_cast %reduce_min3A_132 : vector<2048xf32> to vector<2048x1xf32>
    %eq3A_134 = vector.broadcast %broadcast_in_dim3A_133 : vector<2048x1xf32> to vector<2048x1024xf32>
    %eq3A_135 = arith.cmpf oeq, %add3A_130, %eq3A_134 : vector<2048x1024xf32>
    %jit3A_136 = arith.constant 1.024000e+03 : f32
    %broadcast_in_dim3A_137 = vector.broadcast %jit3A_136 : f32 to vector<2048x1024xf32>
    %select_n3A_138 = arith.select %eq3A_135, %convert_element_type3A_9, %broadcast_in_dim3A_137 : vector<2048x1024xi1>, vector<2048x1024xf32>
    %reduce_min3A_139 = arith.constant dense<0x7F800000> : vector<2048xf32>
    %reduce_min3A_140 = vector.multi_reduction <minimumf>, %select_n3A_138, %reduce_min3A_139 [1] : vector<2048x1024xf32> to vector<2048xf32>
    %broadcast_in_dim3A_141 = vector.shape_cast %reduce_min3A_140 : vector<2048xf32> to vector<2048x1xf32>
    %add3A_142 = arith.constant 4.096000e+03 : f32
    %add3A_143 = vector.broadcast %add3A_142 : f32 to vector<2048x1xf32>
    %add3A_144 = arith.addf %broadcast_in_dim3A_141, %add3A_143 : vector<2048x1xf32>
    %lt3A_145 = arith.cmpf olt, %broadcast_in_dim3A_133, %select_n3A_118 : vector<2048x1xf32>
    %select_n3A_146 = arith.select %lt3A_145, %add3A_144, %select_n3A_117 : vector<2048x1xi1>, vector<2048x1xf32>
    %select_n3A_147 = arith.select %lt3A_145, %broadcast_in_dim3A_133, %select_n3A_118 : vector<2048x1xi1>, vector<2048x1xf32>
    %get3A_148 = arith.constant 0 : index
    %get3A_149 = arith.constant 5120 : index
    %get3A_150 = vector.load %arg2[%get3A_148, %get3A_149] : memref<32x8192xf32, #tpu.memory_space<vmem>>, vector<32x1024xf32>
    %dot_general3A_151 = arith.constant dense<0.000000e+00> : vector<2048x1024xf32>
    %dot_general3A_152 = tpu.matmul %get3A_3, %get3A_150, %dot_general3A_151 {dimension_numbers = #tpu.dot_dimension_numbers<[1], [0], [0], [1], [0, 0, 1, 1], [], []>, transpose_lhs_hint = false} : vector<2048x32xf32>, vector<32x1024xf32>, vector<2048x1024xf32> -> vector<2048x1024xf32>
    %sub3A_153 = vector.broadcast %broadcast_in_dim3A : vector<2048x1xf32> to vector<2048x1024xf32>
    %sub3A_154 = arith.subf %sub3A_153, %dot_general3A_152 : vector<2048x1024xf32>
    %get3A_155 = arith.constant 0 : index
    %get3A_156 = arith.constant 5120 : index
    %get3A_157 = vector.load %arg5[%get3A_155, %get3A_156] : memref<1x8192xf32, #tpu.memory_space<vmem>>, vector<1x1024xf32>
    %add3A_158 = vector.broadcast %get3A_157 : vector<1x1024xf32> to vector<2048x1024xf32>
    %add3A_159 = arith.addf %sub3A_154, %add3A_158 : vector<2048x1024xf32>
    %reduce_min3A_160 = arith.constant dense<0x7F800000> : vector<2048xf32>
    %reduce_min3A_161 = vector.multi_reduction <minimumf>, %add3A_159, %reduce_min3A_160 [1] : vector<2048x1024xf32> to vector<2048xf32>
    %broadcast_in_dim3A_162 = vector.shape_cast %reduce_min3A_161 : vector<2048xf32> to vector<2048x1xf32>
    %eq3A_163 = vector.broadcast %broadcast_in_dim3A_162 : vector<2048x1xf32> to vector<2048x1024xf32>
    %eq3A_164 = arith.cmpf oeq, %add3A_159, %eq3A_163 : vector<2048x1024xf32>
    %jit3A_165 = arith.constant 1.024000e+03 : f32
    %broadcast_in_dim3A_166 = vector.broadcast %jit3A_165 : f32 to vector<2048x1024xf32>
    %select_n3A_167 = arith.select %eq3A_164, %convert_element_type3A_9, %broadcast_in_dim3A_166 : vector<2048x1024xi1>, vector<2048x1024xf32>
    %reduce_min3A_168 = arith.constant dense<0x7F800000> : vector<2048xf32>
    %reduce_min3A_169 = vector.multi_reduction <minimumf>, %select_n3A_167, %reduce_min3A_168 [1] : vector<2048x1024xf32> to vector<2048xf32>
    %broadcast_in_dim3A_170 = vector.shape_cast %reduce_min3A_169 : vector<2048xf32> to vector<2048x1xf32>
    %add3A_171 = arith.constant 5.120000e+03 : f32
    %add3A_172 = vector.broadcast %add3A_171 : f32 to vector<2048x1xf32>
    %add3A_173 = arith.addf %broadcast_in_dim3A_170, %add3A_172 : vector<2048x1xf32>
    %lt3A_174 = arith.cmpf olt, %broadcast_in_dim3A_162, %select_n3A_147 : vector<2048x1xf32>
    %select_n3A_175 = arith.select %lt3A_174, %add3A_173, %select_n3A_146 : vector<2048x1xi1>, vector<2048x1xf32>
    %select_n3A_176 = arith.select %lt3A_174, %broadcast_in_dim3A_162, %select_n3A_147 : vector<2048x1xi1>, vector<2048x1xf32>
    %get3A_177 = arith.constant 0 : index
    %get3A_178 = arith.constant 6144 : index
    %get3A_179 = vector.load %arg2[%get3A_177, %get3A_178] : memref<32x8192xf32, #tpu.memory_space<vmem>>, vector<32x1024xf32>
    %dot_general3A_180 = arith.constant dense<0.000000e+00> : vector<2048x1024xf32>
    %dot_general3A_181 = tpu.matmul %get3A_3, %get3A_179, %dot_general3A_180 {dimension_numbers = #tpu.dot_dimension_numbers<[1], [0], [0], [1], [0, 0, 1, 1], [], []>, transpose_lhs_hint = false} : vector<2048x32xf32>, vector<32x1024xf32>, vector<2048x1024xf32> -> vector<2048x1024xf32>
    %sub3A_182 = vector.broadcast %broadcast_in_dim3A : vector<2048x1xf32> to vector<2048x1024xf32>
    %sub3A_183 = arith.subf %sub3A_182, %dot_general3A_181 : vector<2048x1024xf32>
    %get3A_184 = arith.constant 0 : index
    %get3A_185 = arith.constant 6144 : index
    %get3A_186 = vector.load %arg5[%get3A_184, %get3A_185] : memref<1x8192xf32, #tpu.memory_space<vmem>>, vector<1x1024xf32>
    %add3A_187 = vector.broadcast %get3A_186 : vector<1x1024xf32> to vector<2048x1024xf32>
    %add3A_188 = arith.addf %sub3A_183, %add3A_187 : vector<2048x1024xf32>
    %reduce_min3A_189 = arith.constant dense<0x7F800000> : vector<2048xf32>
    %reduce_min3A_190 = vector.multi_reduction <minimumf>, %add3A_188, %reduce_min3A_189 [1] : vector<2048x1024xf32> to vector<2048xf32>
    %broadcast_in_dim3A_191 = vector.shape_cast %reduce_min3A_190 : vector<2048xf32> to vector<2048x1xf32>
    %eq3A_192 = vector.broadcast %broadcast_in_dim3A_191 : vector<2048x1xf32> to vector<2048x1024xf32>
    %eq3A_193 = arith.cmpf oeq, %add3A_188, %eq3A_192 : vector<2048x1024xf32>
    %jit3A_194 = arith.constant 1.024000e+03 : f32
    %broadcast_in_dim3A_195 = vector.broadcast %jit3A_194 : f32 to vector<2048x1024xf32>
    %select_n3A_196 = arith.select %eq3A_193, %convert_element_type3A_9, %broadcast_in_dim3A_195 : vector<2048x1024xi1>, vector<2048x1024xf32>
    %reduce_min3A_197 = arith.constant dense<0x7F800000> : vector<2048xf32>
    %reduce_min3A_198 = vector.multi_reduction <minimumf>, %select_n3A_196, %reduce_min3A_197 [1] : vector<2048x1024xf32> to vector<2048xf32>
    %broadcast_in_dim3A_199 = vector.shape_cast %reduce_min3A_198 : vector<2048xf32> to vector<2048x1xf32>
    %add3A_200 = arith.constant 6.144000e+03 : f32
    %add3A_201 = vector.broadcast %add3A_200 : f32 to vector<2048x1xf32>
    %add3A_202 = arith.addf %broadcast_in_dim3A_199, %add3A_201 : vector<2048x1xf32>
    %lt3A_203 = arith.cmpf olt, %broadcast_in_dim3A_191, %select_n3A_176 : vector<2048x1xf32>
    %select_n3A_204 = arith.select %lt3A_203, %add3A_202, %select_n3A_175 : vector<2048x1xi1>, vector<2048x1xf32>
    %select_n3A_205 = arith.select %lt3A_203, %broadcast_in_dim3A_191, %select_n3A_176 : vector<2048x1xi1>, vector<2048x1xf32>
    %get3A_206 = arith.constant 0 : index
    %get3A_207 = arith.constant 7168 : index
    %get3A_208 = vector.load %arg2[%get3A_206, %get3A_207] : memref<32x8192xf32, #tpu.memory_space<vmem>>, vector<32x1024xf32>
    %dot_general3A_209 = arith.constant dense<0.000000e+00> : vector<2048x1024xf32>
    %dot_general3A_210 = tpu.matmul %get3A_3, %get3A_208, %dot_general3A_209 {dimension_numbers = #tpu.dot_dimension_numbers<[1], [0], [0], [1], [0, 0, 1, 1], [], []>, transpose_lhs_hint = false} : vector<2048x32xf32>, vector<32x1024xf32>, vector<2048x1024xf32> -> vector<2048x1024xf32>
    %sub3A_211 = vector.broadcast %broadcast_in_dim3A : vector<2048x1xf32> to vector<2048x1024xf32>
    %sub3A_212 = arith.subf %sub3A_211, %dot_general3A_210 : vector<2048x1024xf32>
    %get3A_213 = arith.constant 0 : index
    %get3A_214 = arith.constant 7168 : index
    %get3A_215 = vector.load %arg5[%get3A_213, %get3A_214] : memref<1x8192xf32, #tpu.memory_space<vmem>>, vector<1x1024xf32>
    %add3A_216 = vector.broadcast %get3A_215 : vector<1x1024xf32> to vector<2048x1024xf32>
    %add3A_217 = arith.addf %sub3A_212, %add3A_216 : vector<2048x1024xf32>
    %reduce_min3A_218 = arith.constant dense<0x7F800000> : vector<2048xf32>
    %reduce_min3A_219 = vector.multi_reduction <minimumf>, %add3A_217, %reduce_min3A_218 [1] : vector<2048x1024xf32> to vector<2048xf32>
    %broadcast_in_dim3A_220 = vector.shape_cast %reduce_min3A_219 : vector<2048xf32> to vector<2048x1xf32>
    %eq3A_221 = vector.broadcast %broadcast_in_dim3A_220 : vector<2048x1xf32> to vector<2048x1024xf32>
    %eq3A_222 = arith.cmpf oeq, %add3A_217, %eq3A_221 : vector<2048x1024xf32>
    %jit3A_223 = arith.constant 1.024000e+03 : f32
    %broadcast_in_dim3A_224 = vector.broadcast %jit3A_223 : f32 to vector<2048x1024xf32>
    %select_n3A_225 = arith.select %eq3A_222, %convert_element_type3A_9, %broadcast_in_dim3A_224 : vector<2048x1024xi1>, vector<2048x1024xf32>
    %reduce_min3A_226 = arith.constant dense<0x7F800000> : vector<2048xf32>
    %reduce_min3A_227 = vector.multi_reduction <minimumf>, %select_n3A_225, %reduce_min3A_226 [1] : vector<2048x1024xf32> to vector<2048xf32>
    %broadcast_in_dim3A_228 = vector.shape_cast %reduce_min3A_227 : vector<2048xf32> to vector<2048x1xf32>
    %add3A_229 = arith.constant 7.168000e+03 : f32
    %add3A_230 = vector.broadcast %add3A_229 : f32 to vector<2048x1xf32>
    %add3A_231 = arith.addf %broadcast_in_dim3A_228, %add3A_230 : vector<2048x1xf32>
    %lt3A_232 = arith.cmpf olt, %broadcast_in_dim3A_220, %select_n3A_205 : vector<2048x1xf32>
    %select_n3A_233 = arith.select %lt3A_232, %add3A_231, %select_n3A_204 : vector<2048x1xi1>, vector<2048x1xf32>
    %select_n3A_234 = arith.select %lt3A_232, %broadcast_in_dim3A_220, %select_n3A_205 : vector<2048x1xi1>, vector<2048x1xf32>
    %squeeze3A = vector.shape_cast %select_n3A_233 : vector<2048x1xf32> to vector<2048xf32>
    %convert_element_type3A_235 = arith.fptosi %squeeze3A : vector<2048xf32> to vector<2048xi32>
    %swap3A = arith.constant 0 : index
    %swap3A_236 = arith.constant 0 : index
    %swap3A_237 = arith.constant 0 : index
    %swap3A_238 = vector.load %arg3[%swap3A, %swap3A_236, %swap3A_237] : memref<1x1x2048xi32, #tpu.memory_space<vmem>>, vector<1x1x2048xi32>
    %swap3A_239 = vector.shape_cast %swap3A_238 : vector<1x1x2048xi32> to vector<2048xi32>
    %swap3A_240 = vector.shape_cast %convert_element_type3A_235 : vector<2048xi32> to vector<1x1x2048xi32>
    tpu.vector_store %arg3[%swap3A, %swap3A_236, %swap3A_237], %swap3A_240 {strides = array<i32>} : memref<1x1x2048xi32, #tpu.memory_space<vmem>>, vector<1x1x2048xi32>,
    %eq3A_241 = arith.constant 0 : i32
    %eq3A_242 = arith.cmpi eq, %arg0, %eq3A_241 : i32
    %convert_element_type3A_243 = arith.extui %eq3A_242 : i1 to i32
    %cond3A_244 = arith.constant 0 : i32
    %cond3A_245 = arith.cmpi ne, %convert_element_type3A_243, %cond3A_244 : i32
    scf.if %cond3A_245 {
      %broadcast_in_dim3A_264 = arith.constant 0.000000e+00 : f32
      %broadcast_in_dim3A_265 = vector.broadcast %broadcast_in_dim3A_264 : f32 to vector<1x1xf32>
      %swap3A_266 = arith.constant 0 : index
      %swap3A_267 = arith.constant 0 : index
      %swap3A_268 = vector.load %arg4[%swap3A_266, %swap3A_267] : memref<1x1xf32, #tpu.memory_space<vmem>>, vector<1x1xf32>
      tpu.vector_store %arg4[%swap3A_266, %swap3A_267], %broadcast_in_dim3A_265 {strides = array<i32>} : memref<1x1xf32, #tpu.memory_space<vmem>>, vector<1x1xf32>,
    } else {
    }
    %get3A_246 = arith.constant 0 : index
    %get3A_247 = arith.constant 0 : index
    %get3A_248 = vector.load %arg4[%get3A_246, %get3A_247] : memref<1x1xf32, #tpu.memory_space<vmem>>, vector<1x1xf32>
    %reduce_sum3A_249 = vector.shape_cast %select_n3A_234 : vector<2048x1xf32> to vector<1x2048x1xf32>
    %reduce_sum3A_250 = arith.constant dense<0.000000e+00> : vector<1xf32>
    %reduce_sum3A_251 = vector.multi_reduction <add>, %reduce_sum3A_249, %reduce_sum3A_250 [1, 2] : vector<1x2048x1xf32> to vector<1xf32>
    %reduce_sum3A_252 = vector.shape_cast %reduce_sum3A_251 : vector<1xf32> to vector<1x1x1xf32>
    %reduce_sum3A_253 = vector.extract %reduce_sum3A_252[0, 0, 0] : f32 from vector<1x1x1xf32>
    %add3A_254 = vector.broadcast %reduce_sum3A_253 : f32 to vector<1x1xf32>
    %add3A_255 = arith.addf %get3A_248, %add3A_254 : vector<1x1xf32>
    %swap3A_256 = arith.constant 0 : index
    %swap3A_257 = arith.constant 0 : index
    %swap3A_258 = vector.load %arg4[%swap3A_256, %swap3A_257] : memref<1x1xf32, #tpu.memory_space<vmem>>, vector<1x1xf32>
    tpu.vector_store %arg4[%swap3A_256, %swap3A_257], %add3A_255 {strides = array<i32>} : memref<1x1xf32, #tpu.memory_space<vmem>>, vector<1x1xf32>,
    %eq3A_259 = arith.constant 1 : i32
    %eq3A_260 = arith.cmpi eq, %arg0, %eq3A_259 : i32
    %convert_element_type3A_261 = arith.extui %eq3A_260 : i1 to i32
    %cond3A_262 = arith.constant 0 : i32
    %cond3A_263 = arith.cmpi ne, %convert_element_type3A_261, %cond3A_262 : i32
    scf.if %cond3A_263 {
      %get3A_264 = arith.constant 0 : index
      %get3A_265 = arith.constant 0 : index
      %get3A_266 = vector.load %arg4[%get3A_264, %get3A_265] : memref<1x1xf32, #tpu.memory_space<vmem>>, vector<1x1xf32>
      %mul3A_267 = arith.constant 1.90734863E-6 : f32
      %mul3A_268 = vector.broadcast %mul3A_267 : f32 to vector<1x1xf32>
      %mul3A_269 = arith.mulf %get3A_266, %mul3A_268 : vector<1x1xf32>
      %swap3A_270 = arith.constant 0 : index
      %swap3A_271 = arith.constant 0 : index
      %swap3A_272 = vector.load %arg4[%swap3A_270, %swap3A_271] : memref<1x1xf32, #tpu.memory_space<vmem>>, vector<1x1xf32>
      tpu.vector_store %arg4[%swap3A_270, %swap3A_271], %mul3A_269 {strides = array<i32>} : memref<1x1xf32, #tpu.memory_space<vmem>>, vector<1x1xf32>,
    } else {
    }
    return
  }
  func.func @transform_0(%arg0: i32) -> (i32, i32) {
    %c0_i32 = arith.constant 0 : i32
    %c0_i32_0 = arith.constant 0 : i32
    return %arg0, %c0_i32 : i32, i32
  }
  func.func @transform_1(%arg0: i32) -> (i32, i32) {
    %c0_i32 = arith.constant 0 : i32
    %c0_i32_0 = arith.constant 0 : i32
    %c0_i32_1 = arith.constant 0 : i32
    return %c0_i32, %c0_i32_0 : i32, i32
  }
  func.func @transform_2(%arg0: i32) -> (i32, i32, i32) {
    %c0_i32 = arith.constant 0 : i32
    %c0_i32_0 = arith.constant 0 : i32
    %c0_i32_1 = arith.constant 0 : i32
    return %arg0, %c0_i32, %c0_i32_0 : i32, i32, i32
  }
  func.func @transform_3(%arg0: i32) -> (i32, i32) {
    %c0_i32 = arith.constant 0 : i32
    %c0_i32_0 = arith.constant 0 : i32
    %c0_i32_1 = arith.constant 0 : i32
    return %c0_i32, %c0_i32_0 : i32, i32
  }
}

</mosaic_0001>

<sc_bundles>
// kernel: kernel.4.cloned.1.call-start
scs
__scs_entry_jumppad:
0x0: {  	(pc) =	sbr.rel $0x88, $3  }
0x1: {  	(tag) =	ssettag $0x0;
	lr =	simm.s32 $0x1  }
0x2: {  	[smem:$0x3F9F] =	sst lr;
	_ =	strace $0xD0000000  }
0x3: {  	_ = 	snop  }
0x4: {  	_ = 	snop  }
0x5: {  	_ = 	snop  }
0x6: {  	_ = 	snop  }
0x7: {  	_ = 	snop  }
__scs_overlays_trampoline_lowered:
0x8: {  	[smem:$0x3FAE] =	sst s0  }
0x9: {  	[smem:$0x3FAF] =	sst s1  }
0xa: {  	[smem:$0x3FB0] =	sst s2  }
0xb: {  	[smem:$0x3FB1] =	sst s3  }
0xc: {  	[smem:$0x3FB2] =	sst s4  }
0xd: {  	[smem:$0x3FB3] =	sst s5  }
0xe: {  	[smem:$0x3FB4] =	sst s6  }
0xf: {  	[smem:$0x3FB5] =	sst s7  }
0x10: {  	[smem:$0x3FB6] =	sst s8  }
0x11: {  	[smem:$0x3FB7] =	sst s9;
	s0 =	simm.s32 @!p0 $0x0  }
0x12: {  	s1 =	sld [smem:$0x3F9D];
	s0 =	simm.s32 @p0 $0x1  }
0x13: {  	[smem:$0x3FB8] =	sst s0;
	s0 =	simm.s32 @!p1 $0x0  }
0x14: {  	s2 =	sld [smem:$0x3F9C];
	s0 =	simm.s32 @p1 $0x1  }
0x15: {  	[smem:$0x3FB9] =	sst s0;
	s0 =	simm.s32 @!p2 $0x0  }
0x16: {  	s3 =	sld [smem:$0x3FDB];
	s0 =	simm.s32 @p2 $0x1  }
0x17: {  	s4 =	simm.s32 $0x1BF5;
	[smem:$0x3FBB] =	sst s0  }
0x18: {  	s0 =	sld [smem:$0x3F9E];
	_ =	swait.ge [sflag:s4], $0x0  }
0x19: {  	s7 =	sld [smem:$0x3F9F]  }
0x1a: {  	s8 =	sadd.s32 $0xFFFFE003, lr  }
0x1b: {  	s9 =	sadd.s32 $0xFFFFFEF7, lr;
	s5 =	simm.s32 $0xFFFFFFFF;
	p2 =	slt.u32 s8, $0xFFFFF086  }
0x1c: {  	p1 =	slt.u32 s9, $0xF7A;
	s5 =	simm.s32 @!p2 $0x0  }
0x1d: {  	s5 =	simm.s32 @p1 $0x1;
	p0 =	seq.s32 s7, s2  }
0x1e: {  	s7 =	smul.u32 @!p0 $0xF7A, s2;
	p2 =	seq.s32 @!p0 s5, $0x0  }
0x1f: {  	s9 =	smul.u32 $0xF7A, s1;
	s8 =	simm.s32 @!p0 $0x1BF5;
	p2 =	por !p2, p0  }
0x20: {  	[sflag:s8] =	ssyncset.s32 @!p0 $0xFFFFF086;
	s6 =	sadd.s32 @!p0 s3, s7;
	s7 =	simm.s32 @!p0 $0x108  }
0x21: {  	s3 =	sadd.s32 s3, s9;
	s6 =	sadd.s32 @!p0 $0x88, s6;
	s7 =	simm.s32 @p2 $0x1082  }
0x22: {  	[simem:s7], [sflag:s8] =	dma.local @!p0 [hbm:s6], $0xF7A  }
0x23: {  	s9 =	sor.u32 $0xD0000000, s2;
	s6 =	simm.s32 $0x108;
	_ =	swait.ge @!p0 [sflag:s8], $0x0  }
0x24: {  	s3 =	sadd.s32 $0x88, s3;
	s6 =	simm.s32 @!p1 $0x1082;
	[sflag:s4] =	ssyncset.s32 $0xFFFFF086  }
0x25: {  	[simem:s6], [sflag:s4] =	dma.local [hbm:s3], $0xF7A  }
0x26: {  	[smem:$0x3F9F] =	sst s1;
	(tag) =	ssettag s2;
	_ =	strace s9  }
0x27: {  	s1 =	sld [smem:$0x3FAF]  }
0x28: {  	s2 =	sld [smem:$0x3FB0]  }
0x29: {  	s4 =	sld [smem:$0x3FB2]  }
0x2a: {  	p0 =	seq.s32 s5, $0x0;
	s5 =	sld [smem:$0x3FB3]  }
0x2b: {  	s6 =	sld [smem:$0x3FB4]  }
0x2c: {  	s7 =	sld [smem:$0x3FB5]  }
0x2d: {  	s3 =	simm.s32 $0x108;
	s8 =	sld [smem:$0x3FB6]  }
0x2e: {  	s3 =	simm.s32 @!p0 $0x1082;
	s9 =	sld [smem:$0x3FB7]  }
0x2f: {  	lr =	sadd.s32 s0, s3;
	s0 =	sld [smem:$0x3FAE]  }
0x30: {  	s3 =	sld [smem:$0x3FB1]  }
0x31: {  	[smem:$0x3FBA] =	sst s10  }
0x32: {  	s10 =	sld [smem:$0x3FB8];
	_ =	sdelay $0x3  }
0x33: {  	p0 =	seq.s32 s10, $0x1;
	s10 =	sld [smem:$0x3FBA];
	_ =	sdelay $0x3  }
0x34: {  	[smem:$0x3FBA] =	sst s10  }
0x35: {  	s10 =	sld [smem:$0x3FB9];
	_ =	sdelay $0x3  }
0x36: {  	p1 =	seq.s32 s10, $0x1;
	s10 =	sld [smem:$0x3FBA];
	_ =	sdelay $0x3  }
0x37: {  	[smem:$0x3FBA] =	sst s10  }
0x38: {  	s10 =	sld [smem:$0x3FBB]  }
0x39: {  	_ = 	snop;
	(pc) =	sbr.ind lr, $3  }
0x3a: {  	_ = 	snop  }
0x3b: {  	_ = 	snop  }
0x3c: {  	p2 =	seq.s32 s10, $0x1;
	s10 =	sld [smem:$0x3FBA]  }
0x3d: {  	_ =	shalt  }
0x3e: {  	_ =	shalt  }
0x3f: {  	_ =	shalt  }
0x40: {  	_ =	shalt  }
0x41: {  	_ =	shalt  }
0x42: {  	_ =	shalt  }
0x43: {  	_ =	shalt  }
0x44: {  	_ =	shalt  }
0x45: {  	_ =	shalt  }
0x46: {  	_ =	shalt  }
0x47: {  	_ =	shalt  }
0x48: {  	_ =	shalt  }
0x49: {  	_ =	shalt  }
0x4a: {  	_ =	shalt  }
0x4b: {  	_ =	shalt  }
0x4c: {  	_ =	shalt  }
0x4d: {  	_ =	shalt  }
0x4e: {  	_ =	shalt  }
0x4f: {  	_ =	shalt  }
0x50: {  	_ =	shalt  }
0x51: {  	_ =	shalt  }
0x52: {  	_ =	shalt  }
0x53: {  	_ =	shalt  }
0x54: {  	_ =	shalt  }
0x55: {  	_ =	shalt  }
0x56: {  	_ =	shalt  }
0x57: {  	_ =	shalt  }
0x58: {  	_ =	shalt  }
0x59: {  	_ =	shalt  }
0x5a: {  	_ =	shalt  }
0x5b: {  	_ =	shalt  }
0x5c: {  	_ =	shalt  }
0x5d: {  	_ =	shalt  }
0x5e: {  	_ =	shalt  }
0x5f: {  	_ =	shalt  }
0x60: {  	_ =	shalt  }
0x61: {  	_ =	shalt  }
0x62: {  	_ =	shalt  }
0x63: {  	_ =	shalt  }
0x64: {  	_ =	shalt  }
0x65: {  	_ =	shalt  }
0x66: {  	_ =	shalt  }
0x67: {  	_ =	shalt  }
0x68: {  	_ =	shalt  }
0x69: {  	_ =	shalt  }
0x6a: {  	_ =	shalt  }
0x6b: {  	_ =	shalt  }
0x6c: {  	_ =	shalt  }
0x6d: {  	_ =	shalt  }
0x6e: {  	_ =	shalt  }
0x6f: {  	_ =	shalt  }
0x70: {  	_ =	shalt  }
0x71: {  	_ =	shalt  }
0x72: {  	_ =	shalt  }
0x73: {  	_ =	shalt  }
0x74: {  	_ =	shalt  }
0x75: {  	_ =	shalt  }
0x76: {  	_ =	shalt  }
0x77: {  	_ =	shalt  }
0x78: {  	_ =	shalt  }
0x79: {  	_ =	shalt  }
0x7a: {  	_ =	shalt  }
0x7b: {  	_ =	shalt  }
0x7c: {  	_ =	shalt  }
0x7d: {  	_ =	shalt  }
0x7e: {  	_ =	shalt  }
0x7f: {  	_ =	shalt  }
0x80: {  	_ =	shalt  }
0x81: {  	_ =	shalt  }
0x82: {  	_ =	shalt  }
0x83: {  	_ =	shalt  }
0x84: {  	_ =	shalt  }
0x85: {  	_ =	shalt  }
0x86: {  	_ =	shalt  }
0x87: {  	_ =	shalt  }
.Lfunc_end0:
.L_simem_size_0:
called_computation_lowered:
.L_overlay_start_0:
0x88: {  	s2 =	sld [smem:$0x3FD9]  }
0x89: {  	s3 =	sld [smem:$0x3FFE];
	_ =	sdelay $0x1  }
0x8a: {  	s1 =	srdreg.scid  }
0x8b: {  	s0 =	sand.u32 $0x1, s1  }
0x8c: {  	s14 =	sshll.u32 s0, $0xA;
	s2 =	sadd.s32 s3, s2  }
0x8d: {  	s2 =	sadd.s32 s2, s14  }
0x8e: {  	[smem:$0x3FC6] =	sst s2  }
0x8f: {  	_ = 	snop  }
0x90: {  	s2 =	sld [smem:$0x3FD0];
	_ =	sdelay $0x2  }
0x91: {  	s15 =	simm.s32 $0xA;
	s4 =	simm.s32 $0x10  }
0x92: {  	[smem:s4], [sflag:s15] =	dma.local [hbm:s2], $0x1  }
0x93: {  	_ =	swait.eq [sflag:s15], $0x1  }
0x94: {  	[sflag:s15] =	ssyncset.done $0x0  }
0x95: {  	[sflag:s15] =	ssyncadd.s32 $0xFFFFFFFF  }
0x96: {  	s16 =	sld [smem:$0x10];
	(tm) =	ssettm $0x1  }
0x97: {  	s17 =	sld [smem:$0x3FFB];
	_ =	sdelay $0x3  }
0x98: {  	_ =	strace s17  }
0x99: {  	s3 =	sld [smem:$0x3FFC];
	_ =	sdelay $0x3  }
0x9a: {  	_ =	strace s3  }
0x9b: {  	s3 =	sld [smem:$0x3FFD];
	_ =	sdelay $0x3  }
0x9c: {  	_ =	strace s3  }
0x9d: {  	_ =	strace $0x8FFFFFFF  }
0x9e: {  	s18 =	sld [smem:$0x3FDB];
	_ =	sdelay $0x1  }
0x9f: {  	s19 =	simm.s32 $_scs_section_size  }
0xa0: {  	s5 =	simm.s32 $_size__tile_overlayer_lowered;
	s6 =	simm.s32 $_tile_overlayer_lowered  }
0xa1: {  	s22 =	simm.s32 $0x1BFF;
	s21 =	sshll.u32 s6, $0x1;
	s3 =	sadd.s32 s19, s18  }
0xa2: {  	s7 =	simm.s32 $0x0;
	s20 =	sshll.u32 s5, $0x1;
	s5 =	sadd.s32 s21, s3  }
0xa3: {  	[timem:s7], [sflag:s22] =	dma.local [hbm:s5], s20  }
0xa4: {  	_ =	swait.ge [sflag:s22], s20  }
0xa5: {  	s4 =	ssub.s32 $0x0, s20;
	[sflag:s22] =	ssyncset.done $0x0  }
0xa6: {  	[sflag:s22] =	ssyncadd.s32 s4;
	_ =	sdelay $0x1  }
0xa7: {  	s23 =	simm.s32 $0x1B8B  }
0xa8: {  	_ =	swait.ge [sflag:s23], $0x1  }
0xa9: {  	[sflag:s23] =	ssyncset.done $0x0  }
0xaa: {  	s25 =	simm.s32 $0x1B8E;
	s24 =	sld [smem:$0x3FFE];
	[sflag:s23] =	ssyncadd.s32 $0xFFFFFFFF  }
0xab: {  	s26 =	simm.s32 $execute0_lowered;
	[smem:$0x3FD2] =	sst s25  }
0xac: {  	s5 =	sshll.u32 s26, $0x1;
	_ =	strace $0x80000046;
	[dreg:$0x1] =	wrdreg $0xFFFFFFFF  }
0xad: {  	s28 =	simm.s32 $_size_execute0_lowered;
	s3 =	sadd.s32 s3, s5;
	[dreg:$0x0] =	wrdreg $0x0  }
0xae: {  	s5 =	sshll.u32 s28, $0x1;
	[dreg:$0x2] =	wrdreg s3  }
0xaf: {  	[dreg:$0x3] =	wrdreg s5  }
0xb0: {  	[dreg:$0x4] =	wrdreg $0xC0  }
0xb1: {  	_ =	task [dreg:s7], $0x5FFFF  }
0xb2: {  	[dreg:$0x1] =	wrdreg $0xFFFFFFFF  }
0xb3: {  	[dreg:$0x0] =	wrdreg $0x60  }
0xb4: {  	[dreg:$0x2] =	wrdreg s24  }
0xb5: {  	[dreg:$0x3] =	wrdreg s16  }
0xb6: {  	[dreg:$0x4] =	wrdreg $0x9  }
0xb7: {  	_ =	task.clear_ibuf [dreg:s7], $0x5FFFF;
	_ =	strace $0x90000046  }
0xb8: {  	s29 =	simm.s32 $0x9;
	_ =	strace $0x80000048  }
0xb9: {  	_ =	swait.ge [sflag:s29], $0x1  }
0xba: {  	[sflag:s29] =	ssyncadd.s32 $0xFFFFFFFF  }
0xbb: {  	_ =	strace $0x90000048  }
0xbc: {  	_ =	sfence  }
0xbd: {  	s30 =	sld [smem:$0x0];
	_ =	sdelay $0x2  }
0xbe: {  	s31 =	sshll.u32 s1, $0xD;
	s1 =	sshrl.u32 s1, $0x2  }
0xbf: {  	s3 =	sand.u32 $0x4000, s31;
	s1 =	sadd.s32 s1, s30  }
0xc0: {  	s0 =	sor.u32 s3, s0;
	s1 =	sshll.u32 s1, $0x11  }
0xc1: {  	s0 =	sor.u32 s1, s0  }
0xc2: {  	s0 =	sadd.s32 $0x8F2B, s0  }
0xc3: {  	[sflag:s0] =	ssyncadd.remote.s32 $0x1  }
0xc4: {  	_ =	sfence.sel $0xFFFF  }
0xc5: {  	[dreg:$0x0] =	wrdreg $0xFFFFFFFF;
	(pc) =	sbr.abs _section_cstart, $3  }
0xc6: {  	[dreg:$0x1] =	wrdreg $0xFFFFFFFF  }
0xc7: {  	_ =	task.clear_ibuf [dreg:s7], $0x2FFFF;
	_ =	strace $0x9FFFFFFF  }
0xc8: {  	(tm) =	ssettm $0x7FFFFFFF  }
0xc9: {  	_ =	shalt  }
tec
execute0_lowered:
.L_overlay_start_1:
0x0: {  	(tag) =	ssettag $0x1  }
0x1: {  	s1 =	srdreg.scid  }
0x2: {  	s8 =	rddreg [dreg:$0x0];
	s0 =	stileid.u32  }
0x3: {  	s3 =	rddreg [dreg:$0x1];
	s2 =	simm.s32 $0x0;
	s6 =	sand.u32 $0x1, s1  }
0x4: {  	s4 =	sshll.u32 s0, $0x8;
	s1 =	rddreg [dreg:$0x2];
	s5 =	sshll.u32 s6, $0x7  }
0x5: {  	s7 =	simm.s32 $0x1;
	[smem:$0x7FF] =	sst s2;
	s9 =	sor.u32 s5, s4  }
0x6: {  	_ =	strace $0x80000047;
	s10 =	ssub.s32 $0x2, s6;
	s4 =	sshrl.u32 s9, $0x3  }
0x7: {  	s6 =	simm.s32 $0x80;
	s4 =	sadd.s32 s3, s4;
	s3 =	simm.s32 $0x2  }
0x8: {  	[tilespmem:s2], [sflag:$0x2] =	stream.linear.gather [hbm4b:s4+s2], $0x80, $0x38;
	[tilespmem:$0x4080] =	vst v63  }
0x9: {  	s5 =	sadd.s32 $0x800, s8;
	s11 =	sshrl.u32 s10, $0x1;
	_ =	swait.ge [sflag:s3], $0x80  }
0xa: {  	s9 =	sshll.u32 s9, $0x4;
	s31 =	ssub.s32 s10, s11;
	[sflag:s3] =	ssyncset.done $0x0  }
0xb: {  	s8 =	sadd.s32 s9, s8;
	s9 =	smax.u32 s31, $0x1;
	[sflag:s3] =	ssyncadd.s32 $0xFFFFFF80  }
0xc: {  	[tilespmem:s6], [sflag:$0x1] =	stream.indirect.gather [hbm4b:s5+s6], $0x80, s2, s6, $0xb8;
	[tilespmem:$0x4080] =	vst v63  }
0xd: {  	p0 =	sne.s32 s9, $0x1;
	_ =	swait.ge [sflag:s7], $0x4000  }
.Ltmp0:
0xe: {  	[sflag:s7] =	ssyncset.done $0x0;
	(pc) =	sbr.rel @!p0 .LBB2_2-.Ltmp0, $4  }
0xf: {  	s8 =	sadd.s32 $0x20800, s8;
	[sflag:s7] =	ssyncadd.s32 $0xFFFFC000  }
0x10: {  	[hbm4b:s8+s2] =	stream.linear.scatter [tilespmem:s6], [sflag:$0x2], $0x4000, $0x38;
	[tilespmem:$0x4080] =	vst v63  }
0x11: {  	_ =	swait.ge [sflag:s3], $0x4000  }
0x12: {  	s9 =	sadd.s32 $0xFFFFFFFF, s9;
	[sflag:s3] =	ssyncset.done $0x0  }
.LBB2_1:
0x13: {  	p0 =	sne.s32 s9, $0x1;
	s9 =	sadd.s32 $0xFFFFFFFF, s9;
	[sflag:s3] =	ssyncadd.s32 $0xFFFFC000  }
0x14: {  	[tilespmem:s2], [sflag:$0x2] =	stream.linear.gather [hbm4b:s4+s2], $0x80, $0x38;
	[tilespmem:$0x4080] =	vst v63  }
0x15: {  	_ =	swait.ge [sflag:s3], $0x80  }
0x16: {  	[sflag:s3] =	ssyncset.done $0x0  }
0x17: {  	[sflag:s3] =	ssyncadd.s32 $0xFFFFFF80  }
0x18: {  	[tilespmem:s6], [sflag:$0x1] =	stream.indirect.gather [hbm4b:s5+s6], $0x80, s2, s6, $0xb8;
	[tilespmem:$0x4080] =	vst v63  }
0x19: {  	_ =	swait.ge [sflag:s7], $0x4000  }
.Ltmp1:
0x1a: {  	[sflag:s7] =	ssyncset.done $0x0;
	(pc) =	sbr.rel @p0 .LBB2_1-.Ltmp1, $4  }
0x1b: {  	[sflag:s7] =	ssyncadd.s32 $0xFFFFC000  }
0x1c: {  	[hbm4b:s8+s2] =	stream.linear.scatter [tilespmem:s6], [sflag:$0x2], $0x4000, $0x38;
	[tilespmem:$0x4080] =	vst v63  }
0x1d: {  	_ =	swait.ge [sflag:s3], $0x4000  }
0x1e: {  	[sflag:s3] =	ssyncset.done $0x0  }
.LBB2_2:
0x1f: {  	[sflag:s3] =	ssyncadd.s32 $0xFFFFC000  }
0x20: {  	_ =	sfence.sel $0x180000  }
0x21: {  	[bflag:$0x0] =	sbarrier.arrive $0xFFFF  }
0x22: {  	p0 =	sne.s32 s0, $0x0;
	_ =	strace $0x90000047  }
0x23: {  	s0 =	sadd.s32 @!p0 $0x100000, s1;
	[bflag:$0x2] =	sbarrier.arrive $0xFFFF  }
0x24: {  	[sflag:s0] =	ssyncadd.tile.s32 @!p0 $0x1;
	_ =	shalt  }
.Lfunc_end2:
_tile_overlayer_lowered:
.L_overlay_start_2:
0x25: {  	(tag) =	ssettag $0x2  }
0x26: {  	s0 =	rddreg [dreg:$0x0];
	s2 =	stileid.u32  }
0x27: {  	s1 =	rddreg [dreg:$0x1];
	p0 =	sne.s32 s2, $0x0  }
0x28: {  	s3 =	rddreg [dreg:$0x2];
	[bflag:$0x3] =	sbarrier.arrive $0xFFFF;
	s2 =	simm.s32 @!p0 $0x1C02  }
0x29: {  	[timem:s3], [sflag:s2] =	dma.local @!p0 [hbm:s0], s1  }
0x2a: {  	s0 =	simm.s32 @!p0 $0x2  }
0x2b: {  	_ =	swait.ge @!p0 [sflag:s0], s1  }
0x2c: {  	s1 =	ssub.s32 @!p0 $0x0, s1;
	[sflag:s0] =	ssyncset.done @!p0 $0x0  }
0x2d: {  	[sflag:s0] =	ssyncadd.s32 @!p0 s1  }
0x2e: {  	[bflag:$0x3] =	sbarrier.arrive $0xFFFF  }
0x2f: {  	_ =	shalt  }

</sc_bundles>
